<compile_context>
chip_gen: v7x
topology: tpu7x:2x2x1
jax: 0.10.2.dev20260603
libtpu: 0.0.44.dev20260713+nightly
codegen_flags: <defaults>
</compile_context>

<pallas_src>
import functools

import jax
import jax.numpy as jnp
from jax import lax
from jax.experimental import pallas as pl
from jax.experimental.pallas import tpu as pltpu
from jax.experimental.pallas import tpu_sc as plsc

_N_E = 8192
_D = 32
_NB = 1024
_EC = 2048

_SC_CORES = 2
_SC_SUBCORES = 16
_SC_WORKERS = _SC_CORES * _SC_SUBCORES


def _argmin_body(x_ref, emb_ref, idx_ref):
    x = x_ref[...]
    emb = emb_ref[...]
    s1 = jnp.sum(x * x, axis=1, keepdims=True)
    best_d = jnp.full((_NB, 1), jnp.inf, jnp.float32)
    best_i = jnp.zeros((_NB, 1), jnp.int32)
    for c in range(_N_E // _EC):
        e = emb[:, c * _EC:(c + 1) * _EC]
        s2 = jnp.sum(e * e, axis=0, keepdims=True)
        mm = jnp.dot(x.astype(jnp.bfloat16), e,
                     preferred_element_type=jnp.float32)
        dist = (s1 + s2) - 2.0 * mm
        cmin = jnp.min(dist, axis=1, keepdims=True)
        iota = lax.broadcasted_iota(jnp.int32, dist.shape, 1) + (c * _EC)
        cidx = jnp.min(
            jnp.where(dist == cmin, iota, jnp.int32(2**30)),
            axis=1, keepdims=True)
        upd = cmin < best_d
        best_d = jnp.where(upd, cmin, best_d)
        best_i = jnp.where(upd, cidx, best_i)
    idx_ref[...] = best_i


def _argmin_indices(flat, embeddings):
    n = flat.shape[0]
    return pl.pallas_call(
        _argmin_body,
        grid=(n // _NB,),
        in_specs=[
            pl.BlockSpec((_NB, _D), lambda i: (i, 0)),
            pl.BlockSpec((_D, _N_E), lambda i: (0, 0)),
        ],
        out_specs=pl.BlockSpec((_NB, 1), lambda i: (i, 0)),
        out_shape=jax.ShapeDtypeStruct((n, 1), jnp.int32),
    )(flat, embeddings)


def _sc_gather(table, idx2d, n_tokens):
    bpw = n_tokens // _SC_WORKERS
    rows_per_w = bpw // 128
    mesh = plsc.VectorSubcoreMesh(core_axis_name="c", subcore_axis_name="s")

    @functools.partial(
        pl.kernel,
        mesh=mesh,
        compiler_params=pltpu.CompilerParams(use_tc_tiling_on_sc=False),
        out_type=jax.ShapeDtypeStruct((n_tokens, _D), jnp.float32),
        scratch_types=[
            pltpu.VMEM((rows_per_w, 128), jnp.int32),
            pltpu.VMEM((bpw, _D), jnp.float32),
            pltpu.SemaphoreType.DMA,
        ],
    )
    def gath(table_hbm, idx_hbm, out_hbm, idx_v, rows_v, sem):
        wid = lax.axis_index("s") * _SC_CORES + lax.axis_index("c")
        pltpu.sync_copy(idx_hbm.at[pl.ds(wid * rows_per_w, rows_per_w)], idx_v)
        for j in range(rows_per_w):
            pltpu.async_copy(
                table_hbm.at[idx_v.at[j]],
                rows_v.at[pl.ds(j * 128, 128)], sem).wait()
        pltpu.sync_copy(rows_v, out_hbm.at[pl.ds(wid * bpw, bpw)])

    return gath(table, idx2d)


def kernel(inputs, embeddings):
    flat = jnp.reshape(inputs, (-1, _D))
    n = flat.shape[0]
    idx = _argmin_indices(flat, embeddings)
    idx2d = jnp.reshape(idx, (n // 128, 128))
    table = jnp.transpose(embeddings)
    q = _sc_gather(table, idx2d, n)
    q = jnp.reshape(q, inputs.shape)
    return inputs + lax.stop_gradient(q - inputs)

# --- scband reference (transcript-rebuilt; emitter-appended) ---
"""Pipeline reference for scband-vector-quantizer-layer-26740466385252 (READ-ONLY COPY).

The authoritative reference and input builder live on the scoring server;
editing this copy changes nothing except your own understanding.
"""

import jax, jax.numpy as jnp
import numpy as np

N_EMBEDDINGS = 8192
EMBEDDING_DIM = 32
BETA = 0.25


def setup_inputs(seed: int = 0) -> dict:
    key = jax.random.key(seed)
    k1, k2 = jax.random.split(key)
    inputs = jax.random.normal(k1, (32, 1024, EMBEDDING_DIM), dtype=jnp.float32)
    # embeddings stored as (embedding_dim, n_embeddings), matching the Keras layer
    embeddings = jax.random.uniform(k2, (EMBEDDING_DIM, N_EMBEDDINGS), dtype=jnp.float32, minval=-0.05, maxval=0.05)
    return {"inputs": inputs, "embeddings": embeddings}


def reference(inputs, embeddings):
    flattened_inputs = jnp.reshape(inputs, (-1, EMBEDDING_DIM))
    distances = (
        jnp.sum(flattened_inputs ** 2, axis=1, keepdims=True)
        + jnp.sum(embeddings ** 2, axis=0, keepdims=True)
        - 2.0 * jnp.matmul(flattened_inputs, embeddings)
    )
    embedding_indices = jnp.argmin(distances, axis=1)
    embedding_indices = jnp.reshape(embedding_indices, inputs.shape[:-1])
    # embedding lookup on transposed codebook: (n_embeddings, embedding_dim)
    quantized = jnp.take(jnp.transpose(embeddings), embedding_indices, axis=0)
    # commitment loss (side-effect add_loss in Keras; computed here for fidelity)
    commitment_loss = BETA * jnp.mean((jax.lax.stop_gradient(quantized) - inputs) ** 2)
    # straight-through estimator
    quantized = inputs + jax.lax.stop_gradient(quantized - inputs)
    return quantized

if __name__ == "__main__":
    import jax
    _d = setup_inputs()
    print(jax.jit(kernel)(*tuple(_d.values())))

</pallas_src>

<mosaic_0001>
#map = affine_map<(d0, d1) -> (0, 0)>
module attributes {stable_mosaic.version = 14 : i64} {
  func.func @gath(%arg0: i32, %arg1: i32, %arg2: memref<8192x32xf32, #tpu.memory_space<hbm>>, %arg3: memref<256x128xi32, #tpu.memory_space<hbm>>, %arg4: memref<32768x32xf32, #tpu.memory_space<hbm>>, %arg5: memref<8x128xi32, #tpu.memory_space<vmem>>, %arg6: memref<1024x32xf32, #tpu.memory_space<vmem>>, %arg7: memref<!tpu.dma_semaphore, #tpu.memory_space<semaphore_mem>>) attributes {dimension_semantics = [#tpu.dimension_semantics<core_parallel>, #tpu.dimension_semantics<subcore_parallel>], iteration_bounds = array<i64: 2, 16>, scalar_prefetch = 0 : i64, scratch_operands = 3 : i64, tpu.core_type = #tpu.core_type<sc_vector_subcore>, window_params = [{transform_indices = #map}, {transform_indices = #map}, {transform_indices = #map}]} {
    %mul3A = arith.constant 2 : i32
    %mul3A_0 = arith.muli %arg1, %mul3A : i32
    %add3A = arith.addi %mul3A_0, %arg0 : i32
    %mul3A_1 = arith.constant 8 : i32
    %mul3A_2 = arith.muli %add3A, %mul3A_1 : i32
    "tpu.region"() ({
      %run_scoped3A = tpu.sem_alloc : memref<!tpu.dma_semaphore, #tpu.memory_space<semaphore_mem>>
      %dma_start3A_163 = arith.constant 0 : i32
      %dma_start3A_164 = tpu.memref_slice %arg3[%mul3A_2, %dma_start3A_163] : memref<256x128xi32, #tpu.memory_space<hbm>> -> memref<8x128xi32, #tpu.memory_space<hbm>>
      %dma_start3A_165 = arith.constant 0 : i32
      %dma_start3A_166 = tpu.memref_slice %arg3[%mul3A_2, %dma_start3A_165] : memref<256x128xi32, #tpu.memory_space<hbm>> -> memref<8x128xi32, #tpu.memory_space<hbm>>
      tpu.enqueue_dma source(%dma_start3A_166 : memref<8x128xi32, #tpu.memory_space<hbm>>) target(%arg5 : memref<8x128xi32, #tpu.memory_space<vmem>>) target_semaphore(%run_scoped3A : memref<!tpu.dma_semaphore, #tpu.memory_space<semaphore_mem>>)
      %dma_wait3A_167 = arith.constant 0 : i32
      %dma_wait3A_168 = tpu.memref_slice %arg3[%mul3A_2, %dma_wait3A_167] : memref<256x128xi32, #tpu.memory_space<hbm>> -> memref<8x128xi32, #tpu.memory_space<hbm>>
      %dma_wait3A_169 = arith.constant 0 : i32
      %dma_wait3A_170 = tpu.memref_slice %arg3[%mul3A_2, %dma_wait3A_169] : memref<256x128xi32, #tpu.memory_space<hbm>> -> memref<8x128xi32, #tpu.memory_space<hbm>>
      tpu.wait_dma2 semaphore(%run_scoped3A : memref<!tpu.dma_semaphore, #tpu.memory_space<semaphore_mem>>) src(%dma_wait3A_170 : memref<8x128xi32, #tpu.memory_space<hbm>>) dst(%arg5 : memref<8x128xi32, #tpu.memory_space<vmem>>)
      tpu.yield
    }) : () -> ()
    %dma_start3A = arith.constant 0 : i32
    %dma_start3A_3 = arith.constant 0 : i32
    %dma_start3A_4 = arith.constant 0 : i32
    %dma_start3A_5 = tpu.memref_slice %arg6[%dma_start3A_3, %dma_start3A_4] : memref<1024x32xf32, #tpu.memory_space<vmem>> -> memref<128x32xf32, #tpu.memory_space<vmem>>
    %dma_start3A_6 = arith.constant 0 : i32
    %dma_start3A_7 = tpu.memref_slice %arg5[%dma_start3A, %dma_start3A_6] : memref<8x128xi32, #tpu.memory_space<vmem>> -> memref<1x128xi32, #tpu.memory_space<vmem>>
    %dma_start3A_8 = tpu.memref_squeeze %dma_start3A_7 : memref<1x128xi32, #tpu.memory_space<vmem>> -> memref<128xi32, #tpu.memory_space<vmem>>
    %dma_start3A_9 = arith.constant 0 : i32
    %dma_start3A_10 = arith.constant 0 : i32
    %dma_start3A_11 = tpu.memref_slice %arg2[%dma_start3A_9, %dma_start3A_10] : memref<8192x32xf32, #tpu.memory_space<hbm>> -> memref<8192x32xf32, #tpu.memory_space<hbm>>
    tpu.enqueue_indirect_dma source(%dma_start3A_11 : memref<8192x32xf32, #tpu.memory_space<hbm>>) target(%dma_start3A_5 : memref<128x32xf32, #tpu.memory_space<vmem>>) offsets(%dma_start3A_8 : memref<128xi32, #tpu.memory_space<vmem>>) semaphore(%arg7 : memref<!tpu.dma_semaphore, #tpu.memory_space<semaphore_mem>>)
    %dma_wait3A = arith.constant 0 : i32
    %dma_wait3A_12 = arith.constant 0 : i32
    %dma_wait3A_13 = arith.constant 0 : i32
    %dma_wait3A_14 = tpu.memref_slice %arg6[%dma_wait3A_12, %dma_wait3A_13] : memref<1024x32xf32, #tpu.memory_space<vmem>> -> memref<128x32xf32, #tpu.memory_space<vmem>>
    %dma_wait3A_15 = arith.constant 0 : i32
    %dma_wait3A_16 = tpu.memref_slice %arg5[%dma_wait3A, %dma_wait3A_15] : memref<8x128xi32, #tpu.memory_space<vmem>> -> memref<1x128xi32, #tpu.memory_space<vmem>>
    %dma_wait3A_17 = tpu.memref_squeeze %dma_wait3A_16 : memref<1x128xi32, #tpu.memory_space<vmem>> -> memref<128xi32, #tpu.memory_space<vmem>>
    %dma_wait3A_18 = arith.constant 0 : i32
    %dma_wait3A_19 = arith.constant 0 : i32
    %dma_wait3A_20 = tpu.memref_slice %arg2[%dma_wait3A_18, %dma_wait3A_19] : memref<8192x32xf32, #tpu.memory_space<hbm>> -> memref<8192x32xf32, #tpu.memory_space<hbm>>
    tpu.wait_indirect_dma semaphore(%arg7 : memref<!tpu.dma_semaphore, #tpu.memory_space<semaphore_mem>>) src(%dma_wait3A_20 : memref<8192x32xf32, #tpu.memory_space<hbm>>) dst(%dma_wait3A_14 : memref<128x32xf32, #tpu.memory_space<vmem>>)
    %dma_start3A_21 = arith.constant 1 : i32
    %dma_start3A_22 = arith.constant 128 : i32
    %dma_start3A_23 = arith.constant 0 : i32
    %dma_start3A_24 = tpu.memref_slice %arg6[%dma_start3A_22, %dma_start3A_23] : memref<1024x32xf32, #tpu.memory_space<vmem>> -> memref<128x32xf32, #tpu.memory_space<vmem>>
    %dma_start3A_25 = arith.constant 0 : i32
    %dma_start3A_26 = tpu.memref_slice %arg5[%dma_start3A_21, %dma_start3A_25] : memref<8x128xi32, #tpu.memory_space<vmem>> -> memref<1x128xi32, #tpu.memory_space<vmem>>
    %dma_start3A_27 = tpu.memref_squeeze %dma_start3A_26 : memref<1x128xi32, #tpu.memory_space<vmem>> -> memref<128xi32, #tpu.memory_space<vmem>>
    %dma_start3A_28 = arith.constant 0 : i32
    %dma_start3A_29 = arith.constant 0 : i32
    %dma_start3A_30 = tpu.memref_slice %arg2[%dma_start3A_28, %dma_start3A_29] : memref<8192x32xf32, #tpu.memory_space<hbm>> -> memref<8192x32xf32, #tpu.memory_space<hbm>>
    tpu.enqueue_indirect_dma source(%dma_start3A_30 : memref<8192x32xf32, #tpu.memory_space<hbm>>) target(%dma_start3A_24 : memref<128x32xf32, #tpu.memory_space<vmem>>) offsets(%dma_start3A_27 : memref<128xi32, #tpu.memory_space<vmem>>) semaphore(%arg7 : memref<!tpu.dma_semaphore, #tpu.memory_space<semaphore_mem>>)
    %dma_wait3A_31 = arith.constant 1 : i32
    %dma_wait3A_32 = arith.constant 128 : i32
    %dma_wait3A_33 = arith.constant 0 : i32
    %dma_wait3A_34 = tpu.memref_slice %arg6[%dma_wait3A_32, %dma_wait3A_33] : memref<1024x32xf32, #tpu.memory_space<vmem>> -> memref<128x32xf32, #tpu.memory_space<vmem>>
    %dma_wait3A_35 = arith.constant 0 : i32
    %dma_wait3A_36 = tpu.memref_slice %arg5[%dma_wait3A_31, %dma_wait3A_35] : memref<8x128xi32, #tpu.memory_space<vmem>> -> memref<1x128xi32, #tpu.memory_space<vmem>>
    %dma_wait3A_37 = tpu.memref_squeeze %dma_wait3A_36 : memref<1x128xi32, #tpu.memory_space<vmem>> -> memref<128xi32, #tpu.memory_space<vmem>>
    %dma_wait3A_38 = arith.constant 0 : i32
    %dma_wait3A_39 = arith.constant 0 : i32
    %dma_wait3A_40 = tpu.memref_slice %arg2[%dma_wait3A_38, %dma_wait3A_39] : memref<8192x32xf32, #tpu.memory_space<hbm>> -> memref<8192x32xf32, #tpu.memory_space<hbm>>
    tpu.wait_indirect_dma semaphore(%arg7 : memref<!tpu.dma_semaphore, #tpu.memory_space<semaphore_mem>>) src(%dma_wait3A_40 : memref<8192x32xf32, #tpu.memory_space<hbm>>) dst(%dma_wait3A_34 : memref<128x32xf32, #tpu.memory_space<vmem>>)
    %dma_start3A_41 = arith.constant 2 : i32
    %dma_start3A_42 = arith.constant 256 : i32
    %dma_start3A_43 = arith.constant 0 : i32
    %dma_start3A_44 = tpu.memref_slice %arg6[%dma_start3A_42, %dma_start3A_43] : memref<1024x32xf32, #tpu.memory_space<vmem>> -> memref<128x32xf32, #tpu.memory_space<vmem>>
    %dma_start3A_45 = arith.constant 0 : i32
    %dma_start3A_46 = tpu.memref_slice %arg5[%dma_start3A_41, %dma_start3A_45] : memref<8x128xi32, #tpu.memory_space<vmem>> -> memref<1x128xi32, #tpu.memory_space<vmem>>
    %dma_start3A_47 = tpu.memref_squeeze %dma_start3A_46 : memref<1x128xi32, #tpu.memory_space<vmem>> -> memref<128xi32, #tpu.memory_space<vmem>>
    %dma_start3A_48 = arith.constant 0 : i32
    %dma_start3A_49 = arith.constant 0 : i32
    %dma_start3A_50 = tpu.memref_slice %arg2[%dma_start3A_48, %dma_start3A_49] : memref<8192x32xf32, #tpu.memory_space<hbm>> -> memref<8192x32xf32, #tpu.memory_space<hbm>>
    tpu.enqueue_indirect_dma source(%dma_start3A_50 : memref<8192x32xf32, #tpu.memory_space<hbm>>) target(%dma_start3A_44 : memref<128x32xf32, #tpu.memory_space<vmem>>) offsets(%dma_start3A_47 : memref<128xi32, #tpu.memory_space<vmem>>) semaphore(%arg7 : memref<!tpu.dma_semaphore, #tpu.memory_space<semaphore_mem>>)
    %dma_wait3A_51 = arith.constant 2 : i32
    %dma_wait3A_52 = arith.constant 256 : i32
    %dma_wait3A_53 = arith.constant 0 : i32
    %dma_wait3A_54 = tpu.memref_slice %arg6[%dma_wait3A_52, %dma_wait3A_53] : memref<1024x32xf32, #tpu.memory_space<vmem>> -> memref<128x32xf32, #tpu.memory_space<vmem>>
    %dma_wait3A_55 = arith.constant 0 : i32
    %dma_wait3A_56 = tpu.memref_slice %arg5[%dma_wait3A_51, %dma_wait3A_55] : memref<8x128xi32, #tpu.memory_space<vmem>> -> memref<1x128xi32, #tpu.memory_space<vmem>>
    %dma_wait3A_57 = tpu.memref_squeeze %dma_wait3A_56 : memref<1x128xi32, #tpu.memory_space<vmem>> -> memref<128xi32, #tpu.memory_space<vmem>>
    %dma_wait3A_58 = arith.constant 0 : i32
    %dma_wait3A_59 = arith.constant 0 : i32
    %dma_wait3A_60 = tpu.memref_slice %arg2[%dma_wait3A_58, %dma_wait3A_59] : memref<8192x32xf32, #tpu.memory_space<hbm>> -> memref<8192x32xf32, #tpu.memory_space<hbm>>
    tpu.wait_indirect_dma semaphore(%arg7 : memref<!tpu.dma_semaphore, #tpu.memory_space<semaphore_mem>>) src(%dma_wait3A_60 : memref<8192x32xf32, #tpu.memory_space<hbm>>) dst(%dma_wait3A_54 : memref<128x32xf32, #tpu.memory_space<vmem>>)
    %dma_start3A_61 = arith.constant 3 : i32
    %dma_start3A_62 = arith.constant 384 : i32
    %dma_start3A_63 = arith.constant 0 : i32
    %dma_start3A_64 = tpu.memref_slice %arg6[%dma_start3A_62, %dma_start3A_63] : memref<1024x32xf32, #tpu.memory_space<vmem>> -> memref<128x32xf32, #tpu.memory_space<vmem>>
    %dma_start3A_65 = arith.constant 0 : i32
    %dma_start3A_66 = tpu.memref_slice %arg5[%dma_start3A_61, %dma_start3A_65] : memref<8x128xi32, #tpu.memory_space<vmem>> -> memref<1x128xi32, #tpu.memory_space<vmem>>
    %dma_start3A_67 = tpu.memref_squeeze %dma_start3A_66 : memref<1x128xi32, #tpu.memory_space<vmem>> -> memref<128xi32, #tpu.memory_space<vmem>>
    %dma_start3A_68 = arith.constant 0 : i32
    %dma_start3A_69 = arith.constant 0 : i32
    %dma_start3A_70 = tpu.memref_slice %arg2[%dma_start3A_68, %dma_start3A_69] : memref<8192x32xf32, #tpu.memory_space<hbm>> -> memref<8192x32xf32, #tpu.memory_space<hbm>>
    tpu.enqueue_indirect_dma source(%dma_start3A_70 : memref<8192x32xf32, #tpu.memory_space<hbm>>) target(%dma_start3A_64 : memref<128x32xf32, #tpu.memory_space<vmem>>) offsets(%dma_start3A_67 : memref<128xi32, #tpu.memory_space<vmem>>) semaphore(%arg7 : memref<!tpu.dma_semaphore, #tpu.memory_space<semaphore_mem>>)
    %dma_wait3A_71 = arith.constant 3 : i32
    %dma_wait3A_72 = arith.constant 384 : i32
    %dma_wait3A_73 = arith.constant 0 : i32
    %dma_wait3A_74 = tpu.memref_slice %arg6[%dma_wait3A_72, %dma_wait3A_73] : memref<1024x32xf32, #tpu.memory_space<vmem>> -> memref<128x32xf32, #tpu.memory_space<vmem>>
    %dma_wait3A_75 = arith.constant 0 : i32
    %dma_wait3A_76 = tpu.memref_slice %arg5[%dma_wait3A_71, %dma_wait3A_75] : memref<8x128xi32, #tpu.memory_space<vmem>> -> memref<1x128xi32, #tpu.memory_space<vmem>>
    %dma_wait3A_77 = tpu.memref_squeeze %dma_wait3A_76 : memref<1x128xi32, #tpu.memory_space<vmem>> -> memref<128xi32, #tpu.memory_space<vmem>>
    %dma_wait3A_78 = arith.constant 0 : i32
    %dma_wait3A_79 = arith.constant 0 : i32
    %dma_wait3A_80 = tpu.memref_slice %arg2[%dma_wait3A_78, %dma_wait3A_79] : memref<8192x32xf32, #tpu.memory_space<hbm>> -> memref<8192x32xf32, #tpu.memory_space<hbm>>
    tpu.wait_indirect_dma semaphore(%arg7 : memref<!tpu.dma_semaphore, #tpu.memory_space<semaphore_mem>>) src(%dma_wait3A_80 : memref<8192x32xf32, #tpu.memory_space<hbm>>) dst(%dma_wait3A_74 : memref<128x32xf32, #tpu.memory_space<vmem>>)
    %dma_start3A_81 = arith.constant 4 : i32
    %dma_start3A_82 = arith.constant 512 : i32
    %dma_start3A_83 = arith.constant 0 : i32
    %dma_start3A_84 = tpu.memref_slice %arg6[%dma_start3A_82, %dma_start3A_83] : memref<1024x32xf32, #tpu.memory_space<vmem>> -> memref<128x32xf32, #tpu.memory_space<vmem>>
    %dma_start3A_85 = arith.constant 0 : i32
    %dma_start3A_86 = tpu.memref_slice %arg5[%dma_start3A_81, %dma_start3A_85] : memref<8x128xi32, #tpu.memory_space<vmem>> -> memref<1x128xi32, #tpu.memory_space<vmem>>
    %dma_start3A_87 = tpu.memref_squeeze %dma_start3A_86 : memref<1x128xi32, #tpu.memory_space<vmem>> -> memref<128xi32, #tpu.memory_space<vmem>>
    %dma_start3A_88 = arith.constant 0 : i32
    %dma_start3A_89 = arith.constant 0 : i32
    %dma_start3A_90 = tpu.memref_slice %arg2[%dma_start3A_88, %dma_start3A_89] : memref<8192x32xf32, #tpu.memory_space<hbm>> -> memref<8192x32xf32, #tpu.memory_space<hbm>>
    tpu.enqueue_indirect_dma source(%dma_start3A_90 : memref<8192x32xf32, #tpu.memory_space<hbm>>) target(%dma_start3A_84 : memref<128x32xf32, #tpu.memory_space<vmem>>) offsets(%dma_start3A_87 : memref<128xi32, #tpu.memory_space<vmem>>) semaphore(%arg7 : memref<!tpu.dma_semaphore, #tpu.memory_space<semaphore_mem>>)
    %dma_wait3A_91 = arith.constant 4 : i32
    %dma_wait3A_92 = arith.constant 512 : i32
    %dma_wait3A_93 = arith.constant 0 : i32
    %dma_wait3A_94 = tpu.memref_slice %arg6[%dma_wait3A_92, %dma_wait3A_93] : memref<1024x32xf32, #tpu.memory_space<vmem>> -> memref<128x32xf32, #tpu.memory_space<vmem>>
    %dma_wait3A_95 = arith.constant 0 : i32
    %dma_wait3A_96 = tpu.memref_slice %arg5[%dma_wait3A_91, %dma_wait3A_95] : memref<8x128xi32, #tpu.memory_space<vmem>> -> memref<1x128xi32, #tpu.memory_space<vmem>>
    %dma_wait3A_97 = tpu.memref_squeeze %dma_wait3A_96 : memref<1x128xi32, #tpu.memory_space<vmem>> -> memref<128xi32, #tpu.memory_space<vmem>>
    %dma_wait3A_98 = arith.constant 0 : i32
    %dma_wait3A_99 = arith.constant 0 : i32
    %dma_wait3A_100 = tpu.memref_slice %arg2[%dma_wait3A_98, %dma_wait3A_99] : memref<8192x32xf32, #tpu.memory_space<hbm>> -> memref<8192x32xf32, #tpu.memory_space<hbm>>
    tpu.wait_indirect_dma semaphore(%arg7 : memref<!tpu.dma_semaphore, #tpu.memory_space<semaphore_mem>>) src(%dma_wait3A_100 : memref<8192x32xf32, #tpu.memory_space<hbm>>) dst(%dma_wait3A_94 : memref<128x32xf32, #tpu.memory_space<vmem>>)
    %dma_start3A_101 = arith.constant 5 : i32
    %dma_start3A_102 = arith.constant 640 : i32
    %dma_start3A_103 = arith.constant 0 : i32
    %dma_start3A_104 = tpu.memref_slice %arg6[%dma_start3A_102, %dma_start3A_103] : memref<1024x32xf32, #tpu.memory_space<vmem>> -> memref<128x32xf32, #tpu.memory_space<vmem>>
    %dma_start3A_105 = arith.constant 0 : i32
    %dma_start3A_106 = tpu.memref_slice %arg5[%dma_start3A_101, %dma_start3A_105] : memref<8x128xi32, #tpu.memory_space<vmem>> -> memref<1x128xi32, #tpu.memory_space<vmem>>
    %dma_start3A_107 = tpu.memref_squeeze %dma_start3A_106 : memref<1x128xi32, #tpu.memory_space<vmem>> -> memref<128xi32, #tpu.memory_space<vmem>>
    %dma_start3A_108 = arith.constant 0 : i32
    %dma_start3A_109 = arith.constant 0 : i32
    %dma_start3A_110 = tpu.memref_slice %arg2[%dma_start3A_108, %dma_start3A_109] : memref<8192x32xf32, #tpu.memory_space<hbm>> -> memref<8192x32xf32, #tpu.memory_space<hbm>>
    tpu.enqueue_indirect_dma source(%dma_start3A_110 : memref<8192x32xf32, #tpu.memory_space<hbm>>) target(%dma_start3A_104 : memref<128x32xf32, #tpu.memory_space<vmem>>) offsets(%dma_start3A_107 : memref<128xi32, #tpu.memory_space<vmem>>) semaphore(%arg7 : memref<!tpu.dma_semaphore, #tpu.memory_space<semaphore_mem>>)
    %dma_wait3A_111 = arith.constant 5 : i32
    %dma_wait3A_112 = arith.constant 640 : i32
    %dma_wait3A_113 = arith.constant 0 : i32
    %dma_wait3A_114 = tpu.memref_slice %arg6[%dma_wait3A_112, %dma_wait3A_113] : memref<1024x32xf32, #tpu.memory_space<vmem>> -> memref<128x32xf32, #tpu.memory_space<vmem>>
    %dma_wait3A_115 = arith.constant 0 : i32
    %dma_wait3A_116 = tpu.memref_slice %arg5[%dma_wait3A_111, %dma_wait3A_115] : memref<8x128xi32, #tpu.memory_space<vmem>> -> memref<1x128xi32, #tpu.memory_space<vmem>>
    %dma_wait3A_117 = tpu.memref_squeeze %dma_wait3A_116 : memref<1x128xi32, #tpu.memory_space<vmem>> -> memref<128xi32, #tpu.memory_space<vmem>>
    %dma_wait3A_118 = arith.constant 0 : i32
    %dma_wait3A_119 = arith.constant 0 : i32
    %dma_wait3A_120 = tpu.memref_slice %arg2[%dma_wait3A_118, %dma_wait3A_119] : memref<8192x32xf32, #tpu.memory_space<hbm>> -> memref<8192x32xf32, #tpu.memory_space<hbm>>
    tpu.wait_indirect_dma semaphore(%arg7 : memref<!tpu.dma_semaphore, #tpu.memory_space<semaphore_mem>>) src(%dma_wait3A_120 : memref<8192x32xf32, #tpu.memory_space<hbm>>) dst(%dma_wait3A_114 : memref<128x32xf32, #tpu.memory_space<vmem>>)
    %dma_start3A_121 = arith.constant 6 : i32
    %dma_start3A_122 = arith.constant 768 : i32
    %dma_start3A_123 = arith.constant 0 : i32
    %dma_start3A_124 = tpu.memref_slice %arg6[%dma_start3A_122, %dma_start3A_123] : memref<1024x32xf32, #tpu.memory_space<vmem>> -> memref<128x32xf32, #tpu.memory_space<vmem>>
    %dma_start3A_125 = arith.constant 0 : i32
    %dma_start3A_126 = tpu.memref_slice %arg5[%dma_start3A_121, %dma_start3A_125] : memref<8x128xi32, #tpu.memory_space<vmem>> -> memref<1x128xi32, #tpu.memory_space<vmem>>
    %dma_start3A_127 = tpu.memref_squeeze %dma_start3A_126 : memref<1x128xi32, #tpu.memory_space<vmem>> -> memref<128xi32, #tpu.memory_space<vmem>>
    %dma_start3A_128 = arith.constant 0 : i32
    %dma_start3A_129 = arith.constant 0 : i32
    %dma_start3A_130 = tpu.memref_slice %arg2[%dma_start3A_128, %dma_start3A_129] : memref<8192x32xf32, #tpu.memory_space<hbm>> -> memref<8192x32xf32, #tpu.memory_space<hbm>>
    tpu.enqueue_indirect_dma source(%dma_start3A_130 : memref<8192x32xf32, #tpu.memory_space<hbm>>) target(%dma_start3A_124 : memref<128x32xf32, #tpu.memory_space<vmem>>) offsets(%dma_start3A_127 : memref<128xi32, #tpu.memory_space<vmem>>) semaphore(%arg7 : memref<!tpu.dma_semaphore, #tpu.memory_space<semaphore_mem>>)
    %dma_wait3A_131 = arith.constant 6 : i32
    %dma_wait3A_132 = arith.constant 768 : i32
    %dma_wait3A_133 = arith.constant 0 : i32
    %dma_wait3A_134 = tpu.memref_slice %arg6[%dma_wait3A_132, %dma_wait3A_133] : memref<1024x32xf32, #tpu.memory_space<vmem>> -> memref<128x32xf32, #tpu.memory_space<vmem>>
    %dma_wait3A_135 = arith.constant 0 : i32
    %dma_wait3A_136 = tpu.memref_slice %arg5[%dma_wait3A_131, %dma_wait3A_135] : memref<8x128xi32, #tpu.memory_space<vmem>> -> memref<1x128xi32, #tpu.memory_space<vmem>>
    %dma_wait3A_137 = tpu.memref_squeeze %dma_wait3A_136 : memref<1x128xi32, #tpu.memory_space<vmem>> -> memref<128xi32, #tpu.memory_space<vmem>>
    %dma_wait3A_138 = arith.constant 0 : i32
    %dma_wait3A_139 = arith.constant 0 : i32
    %dma_wait3A_140 = tpu.memref_slice %arg2[%dma_wait3A_138, %dma_wait3A_139] : memref<8192x32xf32, #tpu.memory_space<hbm>> -> memref<8192x32xf32, #tpu.memory_space<hbm>>
    tpu.wait_indirect_dma semaphore(%arg7 : memref<!tpu.dma_semaphore, #tpu.memory_space<semaphore_mem>>) src(%dma_wait3A_140 : memref<8192x32xf32, #tpu.memory_space<hbm>>) dst(%dma_wait3A_134 : memref<128x32xf32, #tpu.memory_space<vmem>>)
    %dma_start3A_141 = arith.constant 7 : i32
    %dma_start3A_142 = arith.constant 896 : i32
    %dma_start3A_143 = arith.constant 0 : i32
    %dma_start3A_144 = tpu.memref_slice %arg6[%dma_start3A_142, %dma_start3A_143] : memref<1024x32xf32, #tpu.memory_space<vmem>> -> memref<128x32xf32, #tpu.memory_space<vmem>>
    %dma_start3A_145 = arith.constant 0 : i32
    %dma_start3A_146 = tpu.memref_slice %arg5[%dma_start3A_141, %dma_start3A_145] : memref<8x128xi32, #tpu.memory_space<vmem>> -> memref<1x128xi32, #tpu.memory_space<vmem>>
    %dma_start3A_147 = tpu.memref_squeeze %dma_start3A_146 : memref<1x128xi32, #tpu.memory_space<vmem>> -> memref<128xi32, #tpu.memory_space<vmem>>
    %dma_start3A_148 = arith.constant 0 : i32
    %dma_start3A_149 = arith.constant 0 : i32
    %dma_start3A_150 = tpu.memref_slice %arg2[%dma_start3A_148, %dma_start3A_149] : memref<8192x32xf32, #tpu.memory_space<hbm>> -> memref<8192x32xf32, #tpu.memory_space<hbm>>
    tpu.enqueue_indirect_dma source(%dma_start3A_150 : memref<8192x32xf32, #tpu.memory_space<hbm>>) target(%dma_start3A_144 : memref<128x32xf32, #tpu.memory_space<vmem>>) offsets(%dma_start3A_147 : memref<128xi32, #tpu.memory_space<vmem>>) semaphore(%arg7 : memref<!tpu.dma_semaphore, #tpu.memory_space<semaphore_mem>>)
    %dma_wait3A_151 = arith.constant 7 : i32
    %dma_wait3A_152 = arith.constant 896 : i32
    %dma_wait3A_153 = arith.constant 0 : i32
    %dma_wait3A_154 = tpu.memref_slice %arg6[%dma_wait3A_152, %dma_wait3A_153] : memref<1024x32xf32, #tpu.memory_space<vmem>> -> memref<128x32xf32, #tpu.memory_space<vmem>>
    %dma_wait3A_155 = arith.constant 0 : i32
    %dma_wait3A_156 = tpu.memref_slice %arg5[%dma_wait3A_151, %dma_wait3A_155] : memref<8x128xi32, #tpu.memory_space<vmem>> -> memref<1x128xi32, #tpu.memory_space<vmem>>
    %dma_wait3A_157 = tpu.memref_squeeze %dma_wait3A_156 : memref<1x128xi32, #tpu.memory_space<vmem>> -> memref<128xi32, #tpu.memory_space<vmem>>
    %dma_wait3A_158 = arith.constant 0 : i32
    %dma_wait3A_159 = arith.constant 0 : i32
    %dma_wait3A_160 = tpu.memref_slice %arg2[%dma_wait3A_158, %dma_wait3A_159] : memref<8192x32xf32, #tpu.memory_space<hbm>> -> memref<8192x32xf32, #tpu.memory_space<hbm>>
    tpu.wait_indirect_dma semaphore(%arg7 : memref<!tpu.dma_semaphore, #tpu.memory_space<semaphore_mem>>) src(%dma_wait3A_160 : memref<8192x32xf32, #tpu.memory_space<hbm>>) dst(%dma_wait3A_154 : memref<128x32xf32, #tpu.memory_space<vmem>>)
    %mul3A_161 = arith.constant 1024 : i32
    %mul3A_162 = arith.muli %add3A, %mul3A_161 : i32
    "tpu.region"() ({
      %run_scoped3A = tpu.sem_alloc : memref<!tpu.dma_semaphore, #tpu.memory_space<semaphore_mem>>
      %dma_start3A_163 = arith.constant 0 : i32
      %dma_start3A_164 = tpu.memref_slice %arg4[%mul3A_162, %dma_start3A_163] : memref<32768x32xf32, #tpu.memory_space<hbm>> -> memref<1024x32xf32, #tpu.memory_space<hbm>>
      %dma_start3A_165 = arith.constant 0 : i32
      %dma_start3A_166 = tpu.memref_slice %arg4[%mul3A_162, %dma_start3A_165] : memref<32768x32xf32, #tpu.memory_space<hbm>> -> memref<1024x32xf32, #tpu.memory_space<hbm>>
      tpu.enqueue_dma source(%arg6 : memref<1024x32xf32, #tpu.memory_space<vmem>>) target(%dma_start3A_166 : memref<1024x32xf32, #tpu.memory_space<hbm>>) target_semaphore(%run_scoped3A : memref<!tpu.dma_semaphore, #tpu.memory_space<semaphore_mem>>)
      %dma_wait3A_167 = arith.constant 0 : i32
      %dma_wait3A_168 = tpu.memref_slice %arg4[%mul3A_162, %dma_wait3A_167] : memref<32768x32xf32, #tpu.memory_space<hbm>> -> memref<1024x32xf32, #tpu.memory_space<hbm>>
      %dma_wait3A_169 = arith.constant 0 : i32
      %dma_wait3A_170 = tpu.memref_slice %arg4[%mul3A_162, %dma_wait3A_169] : memref<32768x32xf32, #tpu.memory_space<hbm>> -> memref<1024x32xf32, #tpu.memory_space<hbm>>
      tpu.wait_dma2 semaphore(%run_scoped3A : memref<!tpu.dma_semaphore, #tpu.memory_space<semaphore_mem>>) src(%arg6 : memref<1024x32xf32, #tpu.memory_space<vmem>>) dst(%dma_wait3A_170 : memref<1024x32xf32, #tpu.memory_space<hbm>>)
      tpu.yield
    }) : () -> ()
    return
  }
}

module attributes {stable_mosaic.version = 14 : i64} {
  func.func @_argmin_body(%arg0: i32, %arg1: memref<1024x32xf32, #tpu.memory_space<vmem>>, %arg2: memref<32x8192xf32, #tpu.memory_space<vmem>>, %arg3: memref<1024x1xi32, #tpu.memory_space<vmem>>) attributes {dimension_semantics = [#tpu.dimension_semantics<arbitrary>], iteration_bounds = array<i64: 32>, scalar_prefetch = 0 : i64, scratch_operands = 0 : i64, tpu.core_type = #tpu.core_type<tc>, window_params = [{transform_indices = @transform_0, window_bounds = array<i64: 1024, 32>}, {pipeline_mode = #tpu.pipeline_mode<synchronous>, transform_indices = @transform_1, window_bounds = array<i64: 32, 8192>}, {transform_indices = @transform_2, window_bounds = array<i64: 1024, 1>}]} {
    %get3A = arith.constant 0 : index
    %get3A_0 = arith.constant 0 : index
    %get3A_1 = vector.load %arg1[%get3A, %get3A_0] : memref<1024x32xf32, #tpu.memory_space<vmem>>, vector<1024x32xf32>
    %get3A_2 = arith.constant 0 : index
    %get3A_3 = arith.constant 0 : index
    %get3A_4 = vector.load %arg2[%get3A_2, %get3A_3] : memref<32x8192xf32, #tpu.memory_space<vmem>>, vector<32x8192xf32>
    %mul3A = arith.mulf %get3A_1, %get3A_1 : vector<1024x32xf32>
    %reduce_sum3A = arith.constant dense<0.000000e+00> : vector<1024xf32>
    %reduce_sum3A_5 = vector.multi_reduction <add>, %mul3A, %reduce_sum3A [1] : vector<1024x32xf32> to vector<1024xf32>
    %broadcast_in_dim3A = vector.shape_cast %reduce_sum3A_5 : vector<1024xf32> to vector<1024x1xf32>
    %broadcast_in_dim3A_6 = arith.constant 0x7F800000 : f32
    %broadcast_in_dim3A_7 = vector.broadcast %broadcast_in_dim3A_6 : f32 to vector<1024x1xf32>
    %broadcast_in_dim3A_8 = arith.constant 0 : i32
    %broadcast_in_dim3A_9 = vector.broadcast %broadcast_in_dim3A_8 : i32 to vector<1024x1xi32>
    %slice3A = vector.extract_strided_slice %get3A_4 {offsets = [0, 0], sizes = [32, 2048], strides = [1, 1]} : vector<32x8192xf32> to vector<32x2048xf32>
    %mul3A_10 = arith.mulf %slice3A, %slice3A : vector<32x2048xf32>
    %reduce_sum3A_11 = arith.constant dense<0.000000e+00> : vector<2048xf32>
    %reduce_sum3A_12 = vector.multi_reduction <add>, %mul3A_10, %reduce_sum3A_11 [0] : vector<32x2048xf32> to vector<2048xf32>
    %broadcast_in_dim3A_13 = vector.shape_cast %reduce_sum3A_12 : vector<2048xf32> to vector<1x2048xf32>
    %convert_element_type3A = arith.truncf %get3A_1 : vector<1024x32xf32> to vector<1024x32xbf16>
    %dot_general3A = arith.constant dense<0.000000e+00> : vector<1024x2048xf32>
    %dot_general3A_14 = tpu.matmul %convert_element_type3A, %slice3A, %dot_general3A {dimension_numbers = #tpu.dot_dimension_numbers<[1], [0], [0], [1], [0, 0, 1, 1], [], []>, transpose_lhs_hint = false} : vector<1024x32xbf16>, vector<32x2048xf32>, vector<1024x2048xf32> -> vector<1024x2048xf32>
    %add3A = vector.broadcast %broadcast_in_dim3A : vector<1024x1xf32> to vector<1024x2048xf32>
    %add3A_15 = vector.broadcast %broadcast_in_dim3A_13 : vector<1x2048xf32> to vector<1024x2048xf32>
    %add3A_16 = arith.addf %add3A, %add3A_15 : vector<1024x2048xf32>
    %mul3A_17 = arith.constant 2.000000e+00 : f32
    %mul3A_18 = vector.broadcast %mul3A_17 : f32 to vector<1024x2048xf32>
    %mul3A_19 = arith.mulf %mul3A_18, %dot_general3A_14 : vector<1024x2048xf32>
    %sub3A = arith.subf %add3A_16, %mul3A_19 : vector<1024x2048xf32>
    %reduce_min3A = arith.constant dense<0x7F800000> : vector<1024xf32>
    %reduce_min3A_20 = vector.multi_reduction <minimumf>, %sub3A, %reduce_min3A [1] : vector<1024x2048xf32> to vector<1024xf32>
    %broadcast_in_dim3A_21 = vector.shape_cast %reduce_min3A_20 : vector<1024xf32> to vector<1024x1xf32>
    %iota3A = tpu.iota {dimensions = array<i32: 1>} : vector<1024x2048xi32>
    %add3A_22 = arith.constant 0 : i32
    %add3A_23 = vector.broadcast %add3A_22 : i32 to vector<1024x2048xi32>
    %add3A_24 = arith.addi %iota3A, %add3A_23 : vector<1024x2048xi32>
    %eq3A = vector.broadcast %broadcast_in_dim3A_21 : vector<1024x1xf32> to vector<1024x2048xf32>
    %eq3A_25 = arith.cmpf oeq, %sub3A, %eq3A : vector<1024x2048xf32>
    %jit3A = arith.constant 1073741824 : i32
    %broadcast_in_dim3A_26 = vector.broadcast %jit3A : i32 to vector<1024x2048xi32>
    %select_n3A = arith.select %eq3A_25, %add3A_24, %broadcast_in_dim3A_26 : vector<1024x2048xi1>, vector<1024x2048xi32>
    %reduce_min3A_27 = arith.constant dense<2147483647> : vector<1024xi32>
    %reduce_min3A_28 = vector.multi_reduction <minsi>, %select_n3A, %reduce_min3A_27 [1] : vector<1024x2048xi32> to vector<1024xi32>
    %broadcast_in_dim3A_29 = vector.shape_cast %reduce_min3A_28 : vector<1024xi32> to vector<1024x1xi32>
    %lt3A = arith.cmpf olt, %broadcast_in_dim3A_21, %broadcast_in_dim3A_7 : vector<1024x1xf32>
    %select_n3A_30 = arith.select %lt3A, %broadcast_in_dim3A_21, %broadcast_in_dim3A_7 : vector<1024x1xi1>, vector<1024x1xf32>
    %select_n3A_31 = arith.select %lt3A, %broadcast_in_dim3A_29, %broadcast_in_dim3A_9 : vector<1024x1xi1>, vector<1024x1xi32>
    %slice3A_32 = vector.extract_strided_slice %get3A_4 {offsets = [0, 2048], sizes = [32, 2048], strides = [1, 1]} : vector<32x8192xf32> to vector<32x2048xf32>
    %mul3A_33 = arith.mulf %slice3A_32, %slice3A_32 : vector<32x2048xf32>
    %reduce_sum3A_34 = arith.constant dense<0.000000e+00> : vector<2048xf32>
    %reduce_sum3A_35 = vector.multi_reduction <add>, %mul3A_33, %reduce_sum3A_34 [0] : vector<32x2048xf32> to vector<2048xf32>
    %broadcast_in_dim3A_36 = vector.shape_cast %reduce_sum3A_35 : vector<2048xf32> to vector<1x2048xf32>
    %convert_element_type3A_37 = arith.truncf %get3A_1 : vector<1024x32xf32> to vector<1024x32xbf16>
    %dot_general3A_38 = arith.constant dense<0.000000e+00> : vector<1024x2048xf32>
    %dot_general3A_39 = tpu.matmul %convert_element_type3A_37, %slice3A_32, %dot_general3A_38 {dimension_numbers = #tpu.dot_dimension_numbers<[1], [0], [0], [1], [0, 0, 1, 1], [], []>, transpose_lhs_hint = false} : vector<1024x32xbf16>, vector<32x2048xf32>, vector<1024x2048xf32> -> vector<1024x2048xf32>
    %add3A_40 = vector.broadcast %broadcast_in_dim3A : vector<1024x1xf32> to vector<1024x2048xf32>
    %add3A_41 = vector.broadcast %broadcast_in_dim3A_36 : vector<1x2048xf32> to vector<1024x2048xf32>
    %add3A_42 = arith.addf %add3A_40, %add3A_41 : vector<1024x2048xf32>
    %mul3A_43 = arith.constant 2.000000e+00 : f32
    %mul3A_44 = vector.broadcast %mul3A_43 : f32 to vector<1024x2048xf32>
    %mul3A_45 = arith.mulf %mul3A_44, %dot_general3A_39 : vector<1024x2048xf32>
    %sub3A_46 = arith.subf %add3A_42, %mul3A_45 : vector<1024x2048xf32>
    %reduce_min3A_47 = arith.constant dense<0x7F800000> : vector<1024xf32>
    %reduce_min3A_48 = vector.multi_reduction <minimumf>, %sub3A_46, %reduce_min3A_47 [1] : vector<1024x2048xf32> to vector<1024xf32>
    %broadcast_in_dim3A_49 = vector.shape_cast %reduce_min3A_48 : vector<1024xf32> to vector<1024x1xf32>
    %iota3A_50 = tpu.iota {dimensions = array<i32: 1>} : vector<1024x2048xi32>
    %add3A_51 = arith.constant 2048 : i32
    %add3A_52 = vector.broadcast %add3A_51 : i32 to vector<1024x2048xi32>
    %add3A_53 = arith.addi %iota3A_50, %add3A_52 : vector<1024x2048xi32>
    %eq3A_54 = vector.broadcast %broadcast_in_dim3A_49 : vector<1024x1xf32> to vector<1024x2048xf32>
    %eq3A_55 = arith.cmpf oeq, %sub3A_46, %eq3A_54 : vector<1024x2048xf32>
    %jit3A_56 = arith.constant 1073741824 : i32
    %broadcast_in_dim3A_57 = vector.broadcast %jit3A_56 : i32 to vector<1024x2048xi32>
    %select_n3A_58 = arith.select %eq3A_55, %add3A_53, %broadcast_in_dim3A_57 : vector<1024x2048xi1>, vector<1024x2048xi32>
    %reduce_min3A_59 = arith.constant dense<2147483647> : vector<1024xi32>
    %reduce_min3A_60 = vector.multi_reduction <minsi>, %select_n3A_58, %reduce_min3A_59 [1] : vector<1024x2048xi32> to vector<1024xi32>
    %broadcast_in_dim3A_61 = vector.shape_cast %reduce_min3A_60 : vector<1024xi32> to vector<1024x1xi32>
    %lt3A_62 = arith.cmpf olt, %broadcast_in_dim3A_49, %select_n3A_30 : vector<1024x1xf32>
    %select_n3A_63 = arith.select %lt3A_62, %broadcast_in_dim3A_49, %select_n3A_30 : vector<1024x1xi1>, vector<1024x1xf32>
    %select_n3A_64 = arith.select %lt3A_62, %broadcast_in_dim3A_61, %select_n3A_31 : vector<1024x1xi1>, vector<1024x1xi32>
    %slice3A_65 = vector.extract_strided_slice %get3A_4 {offsets = [0, 4096], sizes = [32, 2048], strides = [1, 1]} : vector<32x8192xf32> to vector<32x2048xf32>
    %mul3A_66 = arith.mulf %slice3A_65, %slice3A_65 : vector<32x2048xf32>
    %reduce_sum3A_67 = arith.constant dense<0.000000e+00> : vector<2048xf32>
    %reduce_sum3A_68 = vector.multi_reduction <add>, %mul3A_66, %reduce_sum3A_67 [0] : vector<32x2048xf32> to vector<2048xf32>
    %broadcast_in_dim3A_69 = vector.shape_cast %reduce_sum3A_68 : vector<2048xf32> to vector<1x2048xf32>
    %convert_element_type3A_70 = arith.truncf %get3A_1 : vector<1024x32xf32> to vector<1024x32xbf16>
    %dot_general3A_71 = arith.constant dense<0.000000e+00> : vector<1024x2048xf32>
    %dot_general3A_72 = tpu.matmul %convert_element_type3A_70, %slice3A_65, %dot_general3A_71 {dimension_numbers = #tpu.dot_dimension_numbers<[1], [0], [0], [1], [0, 0, 1, 1], [], []>, transpose_lhs_hint = false} : vector<1024x32xbf16>, vector<32x2048xf32>, vector<1024x2048xf32> -> vector<1024x2048xf32>
    %add3A_73 = vector.broadcast %broadcast_in_dim3A : vector<1024x1xf32> to vector<1024x2048xf32>
    %add3A_74 = vector.broadcast %broadcast_in_dim3A_69 : vector<1x2048xf32> to vector<1024x2048xf32>
    %add3A_75 = arith.addf %add3A_73, %add3A_74 : vector<1024x2048xf32>
    %mul3A_76 = arith.constant 2.000000e+00 : f32
    %mul3A_77 = vector.broadcast %mul3A_76 : f32 to vector<1024x2048xf32>
    %mul3A_78 = arith.mulf %mul3A_77, %dot_general3A_72 : vector<1024x2048xf32>
    %sub3A_79 = arith.subf %add3A_75, %mul3A_78 : vector<1024x2048xf32>
    %reduce_min3A_80 = arith.constant dense<0x7F800000> : vector<1024xf32>
    %reduce_min3A_81 = vector.multi_reduction <minimumf>, %sub3A_79, %reduce_min3A_80 [1] : vector<1024x2048xf32> to vector<1024xf32>
    %broadcast_in_dim3A_82 = vector.shape_cast %reduce_min3A_81 : vector<1024xf32> to vector<1024x1xf32>
    %iota3A_83 = tpu.iota {dimensions = array<i32: 1>} : vector<1024x2048xi32>
    %add3A_84 = arith.constant 4096 : i32
    %add3A_85 = vector.broadcast %add3A_84 : i32 to vector<1024x2048xi32>
    %add3A_86 = arith.addi %iota3A_83, %add3A_85 : vector<1024x2048xi32>
    %eq3A_87 = vector.broadcast %broadcast_in_dim3A_82 : vector<1024x1xf32> to vector<1024x2048xf32>
    %eq3A_88 = arith.cmpf oeq, %sub3A_79, %eq3A_87 : vector<1024x2048xf32>
    %jit3A_89 = arith.constant 1073741824 : i32
    %broadcast_in_dim3A_90 = vector.broadcast %jit3A_89 : i32 to vector<1024x2048xi32>
    %select_n3A_91 = arith.select %eq3A_88, %add3A_86, %broadcast_in_dim3A_90 : vector<1024x2048xi1>, vector<1024x2048xi32>
    %reduce_min3A_92 = arith.constant dense<2147483647> : vector<1024xi32>
    %reduce_min3A_93 = vector.multi_reduction <minsi>, %select_n3A_91, %reduce_min3A_92 [1] : vector<1024x2048xi32> to vector<1024xi32>
    %broadcast_in_dim3A_94 = vector.shape_cast %reduce_min3A_93 : vector<1024xi32> to vector<1024x1xi32>
    %lt3A_95 = arith.cmpf olt, %broadcast_in_dim3A_82, %select_n3A_63 : vector<1024x1xf32>
    %select_n3A_96 = arith.select %lt3A_95, %broadcast_in_dim3A_82, %select_n3A_63 : vector<1024x1xi1>, vector<1024x1xf32>
    %select_n3A_97 = arith.select %lt3A_95, %broadcast_in_dim3A_94, %select_n3A_64 : vector<1024x1xi1>, vector<1024x1xi32>
    %slice3A_98 = vector.extract_strided_slice %get3A_4 {offsets = [0, 6144], sizes = [32, 2048], strides = [1, 1]} : vector<32x8192xf32> to vector<32x2048xf32>
    %mul3A_99 = arith.mulf %slice3A_98, %slice3A_98 : vector<32x2048xf32>
    %reduce_sum3A_100 = arith.constant dense<0.000000e+00> : vector<2048xf32>
    %reduce_sum3A_101 = vector.multi_reduction <add>, %mul3A_99, %reduce_sum3A_100 [0] : vector<32x2048xf32> to vector<2048xf32>
    %broadcast_in_dim3A_102 = vector.shape_cast %reduce_sum3A_101 : vector<2048xf32> to vector<1x2048xf32>
    %convert_element_type3A_103 = arith.truncf %get3A_1 : vector<1024x32xf32> to vector<1024x32xbf16>
    %dot_general3A_104 = arith.constant dense<0.000000e+00> : vector<1024x2048xf32>
    %dot_general3A_105 = tpu.matmul %convert_element_type3A_103, %slice3A_98, %dot_general3A_104 {dimension_numbers = #tpu.dot_dimension_numbers<[1], [0], [0], [1], [0, 0, 1, 1], [], []>, transpose_lhs_hint = false} : vector<1024x32xbf16>, vector<32x2048xf32>, vector<1024x2048xf32> -> vector<1024x2048xf32>
    %add3A_106 = vector.broadcast %broadcast_in_dim3A : vector<1024x1xf32> to vector<1024x2048xf32>
    %add3A_107 = vector.broadcast %broadcast_in_dim3A_102 : vector<1x2048xf32> to vector<1024x2048xf32>
    %add3A_108 = arith.addf %add3A_106, %add3A_107 : vector<1024x2048xf32>
    %mul3A_109 = arith.constant 2.000000e+00 : f32
    %mul3A_110 = vector.broadcast %mul3A_109 : f32 to vector<1024x2048xf32>
    %mul3A_111 = arith.mulf %mul3A_110, %dot_general3A_105 : vector<1024x2048xf32>
    %sub3A_112 = arith.subf %add3A_108, %mul3A_111 : vector<1024x2048xf32>
    %reduce_min3A_113 = arith.constant dense<0x7F800000> : vector<1024xf32>
    %reduce_min3A_114 = vector.multi_reduction <minimumf>, %sub3A_112, %reduce_min3A_113 [1] : vector<1024x2048xf32> to vector<1024xf32>
    %broadcast_in_dim3A_115 = vector.shape_cast %reduce_min3A_114 : vector<1024xf32> to vector<1024x1xf32>
    %iota3A_116 = tpu.iota {dimensions = array<i32: 1>} : vector<1024x2048xi32>
    %add3A_117 = arith.constant 6144 : i32
    %add3A_118 = vector.broadcast %add3A_117 : i32 to vector<1024x2048xi32>
    %add3A_119 = arith.addi %iota3A_116, %add3A_118 : vector<1024x2048xi32>
    %eq3A_120 = vector.broadcast %broadcast_in_dim3A_115 : vector<1024x1xf32> to vector<1024x2048xf32>
    %eq3A_121 = arith.cmpf oeq, %sub3A_112, %eq3A_120 : vector<1024x2048xf32>
    %jit3A_122 = arith.constant 1073741824 : i32
    %broadcast_in_dim3A_123 = vector.broadcast %jit3A_122 : i32 to vector<1024x2048xi32>
    %select_n3A_124 = arith.select %eq3A_121, %add3A_119, %broadcast_in_dim3A_123 : vector<1024x2048xi1>, vector<1024x2048xi32>
    %reduce_min3A_125 = arith.constant dense<2147483647> : vector<1024xi32>
    %reduce_min3A_126 = vector.multi_reduction <minsi>, %select_n3A_124, %reduce_min3A_125 [1] : vector<1024x2048xi32> to vector<1024xi32>
    %broadcast_in_dim3A_127 = vector.shape_cast %reduce_min3A_126 : vector<1024xi32> to vector<1024x1xi32>
    %lt3A_128 = arith.cmpf olt, %broadcast_in_dim3A_115, %select_n3A_96 : vector<1024x1xf32>
    %select_n3A_129 = arith.select %lt3A_128, %broadcast_in_dim3A_127, %select_n3A_97 : vector<1024x1xi1>, vector<1024x1xi32>
    %swap3A = arith.constant 0 : index
    %swap3A_130 = arith.constant 0 : index
    %swap3A_131 = vector.load %arg3[%swap3A, %swap3A_130] : memref<1024x1xi32, #tpu.memory_space<vmem>>, vector<1024x1xi32>
    tpu.vector_store %arg3[%swap3A, %swap3A_130], %select_n3A_129 {strides = array<i32>} : memref<1024x1xi32, #tpu.memory_space<vmem>>, vector<1024x1xi32>,
    return
  }
  func.func @transform_0(%arg0: i32) -> (i32, i32) {
    %c0_i32 = arith.constant 0 : i32
    %c0_i32_0 = arith.constant 0 : i32
    return %arg0, %c0_i32 : i32, i32
  }
  func.func @transform_1(%arg0: i32) -> (i32, i32) {
    %c0_i32 = arith.constant 0 : i32
    %c0_i32_0 = arith.constant 0 : i32
    %c0_i32_1 = arith.constant 0 : i32
    return %c0_i32, %c0_i32_0 : i32, i32
  }
  func.func @transform_2(%arg0: i32) -> (i32, i32) {
    %c0_i32 = arith.constant 0 : i32
    %c0_i32_0 = arith.constant 0 : i32
    return %arg0, %c0_i32 : i32, i32
  }
}

</mosaic_0001>

<sc_bundles>
// kernel: kernel.4.cloned.1.call-start
scs
__scs_entry_jumppad:
0x0: {  	(pc) =	sbr.rel $0x88, $3  }
0x1: {  	(tag) =	ssettag $0x0;
	lr =	simm.s32 $0x1  }
0x2: {  	[smem:$0x3F9F] =	sst lr;
	_ =	strace $0xD0000000  }
0x3: {  	_ = 	snop  }
0x4: {  	_ = 	snop  }
0x5: {  	_ = 	snop  }
0x6: {  	_ = 	snop  }
0x7: {  	_ = 	snop  }
__scs_overlays_trampoline_lowered:
0x8: {  	[smem:$0x3FAE] =	sst s0  }
0x9: {  	[smem:$0x3FAF] =	sst s1  }
0xa: {  	[smem:$0x3FB0] =	sst s2  }
0xb: {  	[smem:$0x3FB1] =	sst s3  }
0xc: {  	[smem:$0x3FB2] =	sst s4  }
0xd: {  	[smem:$0x3FB3] =	sst s5  }
0xe: {  	[smem:$0x3FB4] =	sst s6  }
0xf: {  	[smem:$0x3FB5] =	sst s7  }
0x10: {  	[smem:$0x3FB6] =	sst s8  }
0x11: {  	[smem:$0x3FB7] =	sst s9;
	s0 =	simm.s32 @!p0 $0x0  }
0x12: {  	s1 =	sld [smem:$0x3F9D];
	s0 =	simm.s32 @p0 $0x1  }
0x13: {  	[smem:$0x3FB8] =	sst s0;
	s0 =	simm.s32 @!p1 $0x0  }
0x14: {  	s2 =	sld [smem:$0x3F9C];
	s0 =	simm.s32 @p1 $0x1  }
0x15: {  	[smem:$0x3FB9] =	sst s0;
	s0 =	simm.s32 @!p2 $0x0  }
0x16: {  	s3 =	sld [smem:$0x3FDB];
	s0 =	simm.s32 @p2 $0x1  }
0x17: {  	s4 =	simm.s32 $0x1BF5;
	[smem:$0x3FBB] =	sst s0  }
0x18: {  	s0 =	sld [smem:$0x3F9E];
	_ =	swait.ge [sflag:s4], $0x0  }
0x19: {  	s7 =	sld [smem:$0x3F9F]  }
0x1a: {  	s8 =	sadd.s32 $0xFFFFE003, lr  }
0x1b: {  	s9 =	sadd.s32 $0xFFFFFEF7, lr;
	s5 =	simm.s32 $0xFFFFFFFF;
	p2 =	slt.u32 s8, $0xFFFFF086  }
0x1c: {  	p1 =	slt.u32 s9, $0xF7A;
	s5 =	simm.s32 @!p2 $0x0  }
0x1d: {  	s5 =	simm.s32 @p1 $0x1;
	p0 =	seq.s32 s7, s2  }
0x1e: {  	s7 =	smul.u32 @!p0 $0xF7A, s2;
	p2 =	seq.s32 @!p0 s5, $0x0  }
0x1f: {  	s9 =	smul.u32 $0xF7A, s1;
	s8 =	simm.s32 @!p0 $0x1BF5;
	p2 =	por !p2, p0  }
0x20: {  	[sflag:s8] =	ssyncset.s32 @!p0 $0xFFFFF086;
	s6 =	sadd.s32 @!p0 s3, s7;
	s7 =	simm.s32 @!p0 $0x108  }
0x21: {  	s3 =	sadd.s32 s3, s9;
	s6 =	sadd.s32 @!p0 $0x88, s6;
	s7 =	simm.s32 @p2 $0x1082  }
0x22: {  	[simem:s7], [sflag:s8] =	dma.local @!p0 [hbm:s6], $0xF7A  }
0x23: {  	s9 =	sor.u32 $0xD0000000, s2;
	s6 =	simm.s32 $0x108;
	_ =	swait.ge @!p0 [sflag:s8], $0x0  }
0x24: {  	s3 =	sadd.s32 $0x88, s3;
	s6 =	simm.s32 @!p1 $0x1082;
	[sflag:s4] =	ssyncset.s32 $0xFFFFF086  }
0x25: {  	[simem:s6], [sflag:s4] =	dma.local [hbm:s3], $0xF7A  }
0x26: {  	[smem:$0x3F9F] =	sst s1;
	(tag) =	ssettag s2;
	_ =	strace s9  }
0x27: {  	s1 =	sld [smem:$0x3FAF]  }
0x28: {  	s2 =	sld [smem:$0x3FB0]  }
0x29: {  	s4 =	sld [smem:$0x3FB2]  }
0x2a: {  	p0 =	seq.s32 s5, $0x0;
	s5 =	sld [smem:$0x3FB3]  }
0x2b: {  	s6 =	sld [smem:$0x3FB4]  }
0x2c: {  	s7 =	sld [smem:$0x3FB5]  }
0x2d: {  	s3 =	simm.s32 $0x108;
	s8 =	sld [smem:$0x3FB6]  }
0x2e: {  	s3 =	simm.s32 @!p0 $0x1082;
	s9 =	sld [smem:$0x3FB7]  }
0x2f: {  	lr =	sadd.s32 s0, s3;
	s0 =	sld [smem:$0x3FAE]  }
0x30: {  	s3 =	sld [smem:$0x3FB1]  }
0x31: {  	[smem:$0x3FBA] =	sst s10  }
0x32: {  	s10 =	sld [smem:$0x3FB8];
	_ =	sdelay $0x3  }
0x33: {  	p0 =	seq.s32 s10, $0x1;
	s10 =	sld [smem:$0x3FBA];
	_ =	sdelay $0x3  }
0x34: {  	[smem:$0x3FBA] =	sst s10  }
0x35: {  	s10 =	sld [smem:$0x3FB9];
	_ =	sdelay $0x3  }
0x36: {  	p1 =	seq.s32 s10, $0x1;
	s10 =	sld [smem:$0x3FBA];
	_ =	sdelay $0x3  }
0x37: {  	[smem:$0x3FBA] =	sst s10  }
0x38: {  	s10 =	sld [smem:$0x3FBB]  }
0x39: {  	_ = 	snop;
	(pc) =	sbr.ind lr, $3  }
0x3a: {  	_ = 	snop  }
0x3b: {  	_ = 	snop  }
0x3c: {  	p2 =	seq.s32 s10, $0x1;
	s10 =	sld [smem:$0x3FBA]  }
0x3d: {  	_ =	shalt  }
0x3e: {  	_ =	shalt  }
0x3f: {  	_ =	shalt  }
0x40: {  	_ =	shalt  }
0x41: {  	_ =	shalt  }
0x42: {  	_ =	shalt  }
0x43: {  	_ =	shalt  }
0x44: {  	_ =	shalt  }
0x45: {  	_ =	shalt  }
0x46: {  	_ =	shalt  }
0x47: {  	_ =	shalt  }
0x48: {  	_ =	shalt  }
0x49: {  	_ =	shalt  }
0x4a: {  	_ =	shalt  }
0x4b: {  	_ =	shalt  }
0x4c: {  	_ =	shalt  }
0x4d: {  	_ =	shalt  }
0x4e: {  	_ =	shalt  }
0x4f: {  	_ =	shalt  }
0x50: {  	_ =	shalt  }
0x51: {  	_ =	shalt  }
0x52: {  	_ =	shalt  }
0x53: {  	_ =	shalt  }
0x54: {  	_ =	shalt  }
0x55: {  	_ =	shalt  }
0x56: {  	_ =	shalt  }
0x57: {  	_ =	shalt  }
0x58: {  	_ =	shalt  }
0x59: {  	_ =	shalt  }
0x5a: {  	_ =	shalt  }
0x5b: {  	_ =	shalt  }
0x5c: {  	_ =	shalt  }
0x5d: {  	_ =	shalt  }
0x5e: {  	_ =	shalt  }
0x5f: {  	_ =	shalt  }
0x60: {  	_ =	shalt  }
0x61: {  	_ =	shalt  }
0x62: {  	_ =	shalt  }
0x63: {  	_ =	shalt  }
0x64: {  	_ =	shalt  }
0x65: {  	_ =	shalt  }
0x66: {  	_ =	shalt  }
0x67: {  	_ =	shalt  }
0x68: {  	_ =	shalt  }
0x69: {  	_ =	shalt  }
0x6a: {  	_ =	shalt  }
0x6b: {  	_ =	shalt  }
0x6c: {  	_ =	shalt  }
0x6d: {  	_ =	shalt  }
0x6e: {  	_ =	shalt  }
0x6f: {  	_ =	shalt  }
0x70: {  	_ =	shalt  }
0x71: {  	_ =	shalt  }
0x72: {  	_ =	shalt  }
0x73: {  	_ =	shalt  }
0x74: {  	_ =	shalt  }
0x75: {  	_ =	shalt  }
0x76: {  	_ =	shalt  }
0x77: {  	_ =	shalt  }
0x78: {  	_ =	shalt  }
0x79: {  	_ =	shalt  }
0x7a: {  	_ =	shalt  }
0x7b: {  	_ =	shalt  }
0x7c: {  	_ =	shalt  }
0x7d: {  	_ =	shalt  }
0x7e: {  	_ =	shalt  }
0x7f: {  	_ =	shalt  }
0x80: {  	_ =	shalt  }
0x81: {  	_ =	shalt  }
0x82: {  	_ =	shalt  }
0x83: {  	_ =	shalt  }
0x84: {  	_ =	shalt  }
0x85: {  	_ =	shalt  }
0x86: {  	_ =	shalt  }
0x87: {  	_ =	shalt  }
.Lfunc_end0:
.L_simem_size_0:
called_computation_lowered:
.L_overlay_start_0:
0x88: {  	s2 =	sld [smem:$0x3FD9]  }
0x89: {  	s3 =	sld [smem:$0x3FFE];
	_ =	sdelay $0x1  }
0x8a: {  	s1 =	srdreg.scid  }
0x8b: {  	s0 =	sand.u32 $0x1, s1  }
0x8c: {  	s17 =	sshll.u32 s0, $0xA;
	s2 =	sadd.s32 s3, s2  }
0x8d: {  	s2 =	sadd.s32 s2, s17  }
0x8e: {  	[smem:$0x3FC6] =	sst s2  }
0x8f: {  	_ = 	snop  }
0x90: {  	s2 =	sld [smem:$0x3FD0];
	(tm) =	ssettm $0x1  }
0x91: {  	s18 =	sld [smem:$0x3FFB];
	_ =	sdelay $0x3  }
0x92: {  	_ =	strace s18  }
0x93: {  	s3 =	sld [smem:$0x3FFC];
	_ =	sdelay $0x3  }
0x94: {  	_ =	strace s3  }
0x95: {  	s3 =	sld [smem:$0x3FFD];
	_ =	sdelay $0x3  }
0x96: {  	_ =	strace s3  }
0x97: {  	_ =	strace $0x8FFFFFFF  }
0x98: {  	s19 =	sld [smem:$0x3FDB];
	_ =	sdelay $0x1  }
0x99: {  	s4 =	simm.s32 $_scs_section_size  }
0x9a: {  	s5 =	simm.s32 $_size__tile_overlayer_lowered;
	s6 =	simm.s32 $_tile_overlayer_lowered  }
0x9b: {  	s22 =	simm.s32 $0x1BFF;
	s21 =	sshll.u32 s6, $0x1;
	s3 =	sadd.s32 s4, s19  }
0x9c: {  	s7 =	simm.s32 $0x0;
	s20 =	sshll.u32 s5, $0x1;
	s5 =	sadd.s32 s21, s3  }
0x9d: {  	[timem:s7], [sflag:s22] =	dma.local [hbm:s5], s20  }
0x9e: {  	_ =	swait.ge [sflag:s22], s20  }
0x9f: {  	s4 =	ssub.s32 $0x0, s20;
	[sflag:s22] =	ssyncset.done $0x0  }
0xa0: {  	[sflag:s22] =	ssyncadd.s32 s4;
	_ =	sdelay $0x1  }
0xa1: {  	s23 =	simm.s32 $0x1B8B  }
0xa2: {  	_ =	swait.ge [sflag:s23], $0x1  }
0xa3: {  	[sflag:s23] =	ssyncset.done $0x0  }
0xa4: {  	s25 =	simm.s32 $0x1B8E;
	s24 =	sld [smem:$0x3FFE];
	[sflag:s23] =	ssyncadd.s32 $0xFFFFFFFF  }
0xa5: {  	s26 =	simm.s32 $execute0_lowered;
	[smem:$0x3FD2] =	sst s25  }
0xa6: {  	s5 =	sshll.u32 s26, $0x1;
	_ =	strace $0x80000046;
	[dreg:$0x1] =	wrdreg $0xFFFFFFFF  }
0xa7: {  	s28 =	simm.s32 $_size_execute0_lowered;
	s3 =	sadd.s32 s3, s5;
	[dreg:$0x0] =	wrdreg $0x0  }
0xa8: {  	s5 =	sshll.u32 s28, $0x1;
	[dreg:$0x2] =	wrdreg s3  }
0xa9: {  	[dreg:$0x3] =	wrdreg s5  }
0xaa: {  	[dreg:$0x4] =	wrdreg $0xC0  }
0xab: {  	_ =	task [dreg:s7], $0x5FFFF  }
0xac: {  	[dreg:$0x1] =	wrdreg $0xFFFFFFFF  }
0xad: {  	[dreg:$0x0] =	wrdreg $0x60  }
0xae: {  	[dreg:$0x2] =	wrdreg s24  }
0xaf: {  	[dreg:$0x3] =	wrdreg s2  }
0xb0: {  	[dreg:$0x4] =	wrdreg $0x9  }
0xb1: {  	_ =	task.clear_ibuf [dreg:s7], $0x5FFFF;
	_ =	strace $0x90000046  }
0xb2: {  	s29 =	simm.s32 $0x9;
	_ =	strace $0x80000048  }
0xb3: {  	_ =	swait.ge [sflag:s29], $0x1  }
0xb4: {  	[sflag:s29] =	ssyncadd.s32 $0xFFFFFFFF  }
0xb5: {  	_ =	strace $0x90000048  }
0xb6: {  	_ =	sfence  }
0xb7: {  	s30 =	sld [smem:$0x0];
	_ =	sdelay $0x2  }
0xb8: {  	s31 =	sshll.u32 s1, $0xD;
	s1 =	sshrl.u32 s1, $0x2  }
0xb9: {  	s3 =	sand.u32 $0x4000, s31;
	s1 =	sadd.s32 s1, s30  }
0xba: {  	s0 =	sor.u32 s3, s0;
	s1 =	sshll.u32 s1, $0x11  }
0xbb: {  	s0 =	sor.u32 s1, s0  }
0xbc: {  	s0 =	sadd.s32 $0x8F2B, s0  }
0xbd: {  	[sflag:s0] =	ssyncadd.remote.s32 $0x1  }
0xbe: {  	_ =	sfence.sel $0xFFFF  }
0xbf: {  	[dreg:$0x0] =	wrdreg $0xFFFFFFFF;
	(pc) =	sbr.abs _section_cstart, $3  }
0xc0: {  	[dreg:$0x1] =	wrdreg $0xFFFFFFFF  }
0xc1: {  	_ =	task.clear_ibuf [dreg:s7], $0x2FFFF;
	_ =	strace $0x9FFFFFFF  }
0xc2: {  	(tm) =	ssettm $0x7FFFFFFF  }
0xc3: {  	_ =	shalt  }
tec
execute0_lowered:
.L_overlay_start_1:
0x0: {  	(tag) =	ssettag $0x1  }
0x1: {  	s1 =	srdreg.scid;
	s0 =	stileid.u32  }
0x2: {  	s5 =	rddreg [dreg:$0x0];
	s20 =	sand.u32 $0x1, s1;
	s30 =	sshll.u32 s0, $0x1  }
0x3: {  	s22 =	rddreg [dreg:$0x1];
	s23 =	sor.u32 s20, s30  }
0x4: {  	s2 =	simm.s32 $0x0;
	s1 =	rddreg [dreg:$0x2];
	s3 =	sshll.u32 s23, $0x7  }
0x5: {  	[smem:$0x7FF] =	sst s2;
	s3 =	sadd.s32 s3, s5  }
0x6: {  	_ =	strace $0x80000047;
	s4 =	sadd.s32 $0x8400, s3;
	s3 =	simm.s32 $0x2  }
0x7: {  	[tilespmem:s2], [sflag:$0x2] =	stream.linear.gather [hbm4b:s4+s2], $0x400, $0x38;
	[tilespmem:$0x8400] =	vst v63  }
0x8: {  	_ =	swait.ge [sflag:s3], $0x400  }
0x9: {  	s6 =	simm.s32 $0x80;
	s7 =	simm.s32 $0x400;
	[sflag:s3] =	ssyncset.done $0x0  }
0xa: {  	s8 =	simm.s32 $0x1;
	s5 =	sadd.s32 $0x400, s5;
	[sflag:s3] =	ssyncadd.s32 $0xFFFFFC00  }
0xb: {  	[tilespmem:s7], [sflag:$0x1] =	stream.indirect.gather [hbm4b:s5+s6], $0x20, s2, s6, $0xb8;
	[tilespmem:$0x8400] =	vst v63  }
0xc: {  	_ =	swait.ge [sflag:s8], $0x1000  }
0xd: {  	[sflag:s8] =	ssyncset.done $0x0  }
0xe: {  	s9 =	simm.s32 $0x1400;
	[sflag:s8] =	ssyncadd.s32 $0xFFFFF000  }
0xf: {  	[tilespmem:s9], [sflag:$0x1] =	stream.indirect.gather [hbm4b:s5+s6], $0x20, s6, s6, $0xb8;
	[tilespmem:$0x8400] =	vst v63  }
0x10: {  	_ =	swait.ge [sflag:s8], $0x1000  }
0x11: {  	[sflag:s8] =	ssyncset.done $0x0  }
0x12: {  	s10 =	simm.s32 $0x100;
	s11 =	simm.s32 $0x2400;
	[sflag:s8] =	ssyncadd.s32 $0xFFFFF000  }
0x13: {  	[tilespmem:s11], [sflag:$0x1] =	stream.indirect.gather [hbm4b:s5+s6], $0x20, s10, s6, $0xb8;
	[tilespmem:$0x8400] =	vst v63  }
0x14: {  	_ =	swait.ge [sflag:s8], $0x1000  }
0x15: {  	[sflag:s8] =	ssyncset.done $0x0  }
0x16: {  	s12 =	simm.s32 $0x180;
	s13 =	simm.s32 $0x3400;
	[sflag:s8] =	ssyncadd.s32 $0xFFFFF000  }
0x17: {  	[tilespmem:s13], [sflag:$0x1] =	stream.indirect.gather [hbm4b:s5+s6], $0x20, s12, s6, $0xb8;
	[tilespmem:$0x8400] =	vst v63  }
0x18: {  	_ =	swait.ge [sflag:s8], $0x1000  }
0x19: {  	[sflag:s8] =	ssyncset.done $0x0  }
0x1a: {  	s14 =	simm.s32 $0x200;
	s15 =	simm.s32 $0x4400;
	[sflag:s8] =	ssyncadd.s32 $0xFFFFF000  }
0x1b: {  	[tilespmem:s15], [sflag:$0x1] =	stream.indirect.gather [hbm4b:s5+s6], $0x20, s14, s6, $0xb8;
	[tilespmem:$0x8400] =	vst v63  }
0x1c: {  	_ =	swait.ge [sflag:s8], $0x1000  }
0x1d: {  	[sflag:s8] =	ssyncset.done $0x0  }
0x1e: {  	s16 =	simm.s32 $0x280;
	s17 =	simm.s32 $0x5400;
	[sflag:s8] =	ssyncadd.s32 $0xFFFFF000  }
0x1f: {  	[tilespmem:s17], [sflag:$0x1] =	stream.indirect.gather [hbm4b:s5+s6], $0x20, s16, s6, $0xb8;
	[tilespmem:$0x8400] =	vst v63  }
0x20: {  	_ =	swait.ge [sflag:s8], $0x1000  }
0x21: {  	s18 =	simm.s32 $0x300;
	[sflag:s8] =	ssyncset.done $0x0  }
0x22: {  	s19 =	simm.s32 $0x6400;
	s24 =	ssub.s32 $0x2, s20;
	[sflag:s8] =	ssyncadd.s32 $0xFFFFF000  }
0x23: {  	[tilespmem:s19], [sflag:$0x1] =	stream.indirect.gather [hbm4b:s5+s6], $0x20, s18, s6, $0xb8;
	[tilespmem:$0x8400] =	vst v63  }
0x24: {  	s25 =	sshrl.u32 s24, $0x1;
	_ =	swait.ge [sflag:s8], $0x1000  }
0x25: {  	s21 =	simm.s32 $0x7400;
	s24 =	ssub.s32 s24, s25;
	[sflag:s8] =	ssyncset.done $0x0  }
0x26: {  	s20 =	simm.s32 $0x380;
	s31 =	smax.u32 s24, $0x1;
	[sflag:s8] =	ssyncadd.s32 $0xFFFFF000  }
0x27: {  	[tilespmem:s21], [sflag:$0x1] =	stream.indirect.gather [hbm4b:s5+s6], $0x20, s20, s6, $0xb8;
	[tilespmem:$0x8400] =	vst v63  }
0x28: {  	p0 =	sne.s32 s31, $0x1;
	_ =	swait.ge [sflag:s8], $0x1000  }
.Ltmp0:
0x29: {  	s23 =	sshll.u32 s23, $0xC;
	[sflag:s8] =	ssyncset.done $0x0;
	(pc) =	sbr.rel @!p0 .LBB2_2-.Ltmp0, $4  }
0x2a: {  	s22 =	sadd.s32 s22, s23;
	[sflag:s8] =	ssyncadd.s32 $0xFFFFF000  }
0x2b: {  	[hbm4b:s22+s2] =	stream.linear.scatter [tilespmem:s7], [sflag:$0x2], $0x8000, $0x38;
	[tilespmem:$0x8400] =	vst v63  }
0x2c: {  	_ =	swait.ge [sflag:s3], $0x8000  }
0x2d: {  	s23 =	sadd.s32 $0xFFFFFFFF, s31;
	[sflag:s3] =	ssyncset.done $0x0  }
.LBB2_1:
0x2e: {  	p0 =	sne.s32 s23, $0x1;
	s23 =	sadd.s32 $0xFFFFFFFF, s23;
	[sflag:s3] =	ssyncadd.s32 $0xFFFF8000  }
0x2f: {  	[tilespmem:s2], [sflag:$0x2] =	stream.linear.gather [hbm4b:s4+s2], $0x400, $0x38;
	[tilespmem:$0x8400] =	vst v63  }
0x30: {  	_ =	swait.ge [sflag:s3], $0x400  }
0x31: {  	[sflag:s3] =	ssyncset.done $0x0  }
0x32: {  	[sflag:s3] =	ssyncadd.s32 $0xFFFFFC00  }
0x33: {  	[tilespmem:s7], [sflag:$0x1] =	stream.indirect.gather [hbm4b:s5+s6], $0x20, s2, s6, $0xb8;
	[tilespmem:$0x8400] =	vst v63  }
0x34: {  	_ =	swait.ge [sflag:s8], $0x1000  }
0x35: {  	[sflag:s8] =	ssyncset.done $0x0  }
0x36: {  	[sflag:s8] =	ssyncadd.s32 $0xFFFFF000  }
0x37: {  	[tilespmem:s9], [sflag:$0x1] =	stream.indirect.gather [hbm4b:s5+s6], $0x20, s6, s6, $0xb8;
	[tilespmem:$0x8400] =	vst v63  }
0x38: {  	_ =	swait.ge [sflag:s8], $0x1000  }
0x39: {  	[sflag:s8] =	ssyncset.done $0x0  }
0x3a: {  	[sflag:s8] =	ssyncadd.s32 $0xFFFFF000  }
0x3b: {  	[tilespmem:s11], [sflag:$0x1] =	stream.indirect.gather [hbm4b:s5+s6], $0x20, s10, s6, $0xb8;
	[tilespmem:$0x8400] =	vst v63  }
0x3c: {  	_ =	swait.ge [sflag:s8], $0x1000  }
0x3d: {  	[sflag:s8] =	ssyncset.done $0x0  }
0x3e: {  	[sflag:s8] =	ssyncadd.s32 $0xFFFFF000  }
0x3f: {  	[tilespmem:s13], [sflag:$0x1] =	stream.indirect.gather [hbm4b:s5+s6], $0x20, s12, s6, $0xb8;
	[tilespmem:$0x8400] =	vst v63  }
0x40: {  	_ =	swait.ge [sflag:s8], $0x1000  }
0x41: {  	[sflag:s8] =	ssyncset.done $0x0  }
0x42: {  	[sflag:s8] =	ssyncadd.s32 $0xFFFFF000  }
0x43: {  	[tilespmem:s15], [sflag:$0x1] =	stream.indirect.gather [hbm4b:s5+s6], $0x20, s14, s6, $0xb8;
	[tilespmem:$0x8400] =	vst v63  }
0x44: {  	_ =	swait.ge [sflag:s8], $0x1000  }
0x45: {  	[sflag:s8] =	ssyncset.done $0x0  }
0x46: {  	[sflag:s8] =	ssyncadd.s32 $0xFFFFF000  }
0x47: {  	[tilespmem:s17], [sflag:$0x1] =	stream.indirect.gather [hbm4b:s5+s6], $0x20, s16, s6, $0xb8;
	[tilespmem:$0x8400] =	vst v63  }
0x48: {  	_ =	swait.ge [sflag:s8], $0x1000  }
0x49: {  	[sflag:s8] =	ssyncset.done $0x0  }
0x4a: {  	[sflag:s8] =	ssyncadd.s32 $0xFFFFF000  }
0x4b: {  	[tilespmem:s19], [sflag:$0x1] =	stream.indirect.gather [hbm4b:s5+s6], $0x20, s18, s6, $0xb8;
	[tilespmem:$0x8400] =	vst v63  }
0x4c: {  	_ =	swait.ge [sflag:s8], $0x1000  }
0x4d: {  	[sflag:s8] =	ssyncset.done $0x0  }
0x4e: {  	[sflag:s8] =	ssyncadd.s32 $0xFFFFF000  }
0x4f: {  	[tilespmem:s21], [sflag:$0x1] =	stream.indirect.gather [hbm4b:s5+s6], $0x20, s20, s6, $0xb8;
	[tilespmem:$0x8400] =	vst v63  }
0x50: {  	_ =	swait.ge [sflag:s8], $0x1000  }
.Ltmp1:
0x51: {  	[sflag:s8] =	ssyncset.done $0x0;
	(pc) =	sbr.rel @p0 .LBB2_1-.Ltmp1, $4  }
0x52: {  	[sflag:s8] =	ssyncadd.s32 $0xFFFFF000  }
0x53: {  	[hbm4b:s22+s2] =	stream.linear.scatter [tilespmem:s7], [sflag:$0x2], $0x8000, $0x38;
	[tilespmem:$0x8400] =	vst v63  }
0x54: {  	_ =	swait.ge [sflag:s3], $0x8000  }
0x55: {  	[sflag:s3] =	ssyncset.done $0x0  }
.LBB2_2:
0x56: {  	[sflag:s3] =	ssyncadd.s32 $0xFFFF8000  }
0x57: {  	_ =	sfence.sel $0x180000  }
0x58: {  	[bflag:$0x0] =	sbarrier.arrive $0xFFFF  }
0x59: {  	p0 =	sne.s32 s0, $0x0;
	_ =	strace $0x90000047  }
0x5a: {  	s0 =	sadd.s32 @!p0 $0x100000, s1;
	[bflag:$0x2] =	sbarrier.arrive $0xFFFF  }
0x5b: {  	[sflag:s0] =	ssyncadd.tile.s32 @!p0 $0x1;
	_ =	shalt  }
.Lfunc_end2:
_tile_overlayer_lowered:
.L_overlay_start_2:
0x5c: {  	(tag) =	ssettag $0x2  }
0x5d: {  	s0 =	rddreg [dreg:$0x0];
	s2 =	stileid.u32  }
0x5e: {  	s1 =	rddreg [dreg:$0x1];
	p0 =	sne.s32 s2, $0x0  }
0x5f: {  	s3 =	rddreg [dreg:$0x2];
	[bflag:$0x3] =	sbarrier.arrive $0xFFFF;
	s2 =	simm.s32 @!p0 $0x1C02  }
0x60: {  	[timem:s3], [sflag:s2] =	dma.local @!p0 [hbm:s0], s1  }
0x61: {  	s0 =	simm.s32 @!p0 $0x2  }
0x62: {  	_ =	swait.ge @!p0 [sflag:s0], s1  }
0x63: {  	s1 =	ssub.s32 @!p0 $0x0, s1;
	[sflag:s0] =	ssyncset.done @!p0 $0x0  }
0x64: {  	[sflag:s0] =	ssyncadd.s32 @!p0 s1  }
0x65: {  	[bflag:$0x3] =	sbarrier.arrive $0xFFFF  }
0x66: {  	_ =	shalt  }

</sc_bundles>
